<compile_context>
chip_gen: v7x
topology: tpu7x:2x2x1
jax: 0.10.2.dev20260603
libtpu: 0.0.44.dev20260713+nightly
codegen_flags: <defaults>
</compile_context>

<pallas_src>
import functools
import jax
import jax.numpy as jnp
from jax import lax
from jax.experimental import pallas as pl
from jax.experimental.pallas import tpu as pltpu
from jax.experimental.pallas import tpu_sc as plsc


ROWS = 4096
COLS = 20
VOCAB = 1000
CV = COLS * VOCAB
NW = 32
VB = 8
NCHUNKS = CV // VB
PER_W = -(-NCHUNKS // NW)
LANES = 16


def _sc_kernel_body(xt_hbm, out_hbm, buf, xcol):
    cid = lax.axis_index("c")
    sid = lax.axis_index("s")
    wid = sid * 2 + cid

    ones = jnp.full((LANES,), 1, jnp.int32)
    zeros = jnp.zeros((LANES,), jnp.int32)

    def _turn(k, _):
        t = wid + k * NW

        @pl.when(t < NCHUNKS)
        def _do():
            g0 = t * VB
            c = g0 // VOCAB
            v0 = g0 % VOCAB
            pltpu.sync_copy(xt_hbm.at[c], xcol)
            vvs = [jnp.full((LANES,), v0 + row, jnp.int32)
                   for row in range(VB)]

            def _grp(j, _):
                xi = xcol[pl.ds(j * LANES, LANES)]
                for row in range(VB):
                    buf[row, pl.ds(j * LANES, LANES)] = jnp.where(
                        xi == vvs[row], ones, zeros)
                return 0

            lax.fori_loop(0, ROWS // LANES, _grp, 0)
            pltpu.sync_copy(buf, out_hbm.at[pl.ds(g0, VB)])

        return 0

    lax.fori_loop(0, PER_W, _turn, 0)


def _make_sc_call():
    mesh = plsc.VectorSubcoreMesh(core_axis_name="c", subcore_axis_name="s")
    return functools.partial(
        pl.kernel,
        mesh=mesh,
        out_type=jax.ShapeDtypeStruct((CV, ROWS), jnp.int32),
        scratch_types=[
            pltpu.VMEM((VB, ROWS), jnp.int32),
            pltpu.VMEM((ROWS,), jnp.int32),
        ],
    )(_sc_kernel_body)


_sc_call = _make_sc_call()


def kernel(x):
    xt = x.astype(jnp.int32).T
    out2d = _sc_call(xt)
    return jnp.transpose(out2d.reshape(COLS, VOCAB, ROWS), (2, 0, 1))

# --- scband reference (transcript-rebuilt; emitter-appended) ---
"""Pipeline reference for scband-one-hot-encoding-19980187861871 (READ-ONLY COPY).

The authoritative reference and input builder live on the scoring server;
editing this copy changes nothing except your own understanding.
"""

import jax, jax.numpy as jnp
import numpy as np

VOCAB_SIZE = 1000

def setup_inputs(seed: int = 0) -> dict:
    key = jax.random.key(seed)
    x = jax.random.randint(key, (4096, 20), 0, VOCAB_SIZE, dtype=jnp.int64)
    return {"x": x}

def reference(x) -> jnp.ndarray:
    # Faithful translation of F.one_hot(x.to(int64), num_classes=vocab_size),
    # which returns an integer tensor with a trailing class dimension.
    x = x.astype(jnp.int64)
    oh = (x[..., None] == jnp.arange(VOCAB_SIZE, dtype=jnp.int64)).astype(jnp.int64)
    return oh

if __name__ == "__main__":
    import jax
    _d = setup_inputs()
    print(jax.jit(kernel)(*tuple(_d.values())))

</pallas_src>

<mosaic_0001>
#map = affine_map<(d0, d1) -> (0, 0)>
module attributes {stable_mosaic.version = 14 : i64} {
  func.func @_sc_kernel_body(%arg0: i32, %arg1: i32, %arg2: memref<20x4096xi32, #tpu.memory_space<hbm>>, %arg3: memref<20000x4096xi32, #tpu.memory_space<hbm>>, %arg4: memref<8x4096xi32, #tpu.memory_space<vmem>>, %arg5: memref<4096xi32, #tpu.memory_space<vmem>>) attributes {dimension_semantics = [#tpu.dimension_semantics<core_parallel>, #tpu.dimension_semantics<subcore_parallel>], iteration_bounds = array<i64: 2, 16>, scalar_prefetch = 0 : i64, scratch_operands = 2 : i64, tpu.core_type = #tpu.core_type<sc_vector_subcore>, window_params = [{transform_indices = #map}, {transform_indices = #map}]} {
    %mul3A = arith.constant 2 : i32
    %mul3A_0 = arith.muli %arg1, %mul3A : i32
    %add3A = arith.addi %mul3A_0, %arg0 : i32
    %broadcast_in_dim3A = arith.constant 1 : i32
    %broadcast_in_dim3A_1 = vector.broadcast %broadcast_in_dim3A : i32 to vector<16xi32>
    %broadcast_in_dim3A_2 = arith.constant 0 : i32
    %broadcast_in_dim3A_3 = vector.broadcast %broadcast_in_dim3A_2 : i32 to vector<16xi32>
    %scan3A = arith.constant 0 : i32
    %scan3A_4 = arith.constant 0 : i32
    %scan3A_5 = arith.constant 79 : i32
    %scan3A_6 = arith.addi %scan3A_4, %scan3A_5 : i32
    %scan3A_7 = arith.constant 1 : i32
    %scan3A_8 = scf.for %scan3A_10 = %scan3A_4 to %scan3A_6 step %scan3A_7 iter_args(%scan3A_11 = %scan3A) -> (i32)  : i32 {
      %mul3A_12 = arith.constant 32 : i32
      %mul3A_13 = arith.muli %scan3A_10, %mul3A_12 : i32
      %add3A_14 = arith.addi %add3A, %mul3A_13 : i32
      %lt3A = arith.constant 2500 : i32
      %lt3A_15 = arith.cmpi slt, %add3A_14, %lt3A : i32
      %convert_element_type3A = arith.extui %lt3A_15 : i1 to i32
      %cond3A = arith.constant 0 : i32
      %cond3A_16 = arith.cmpi ne, %convert_element_type3A, %cond3A : i32
      scf.if %cond3A_16 {
        %mul3A_18 = arith.constant 8 : i32
        %mul3A_19 = arith.muli %add3A_14, %mul3A_18 : i32
        %jit3A = arith.constant 1000 : i32
        %div3A = arith.divsi %mul3A_19, %jit3A : i32
        %sign3A = arith.constant 0 : i32
        %sign3A_20 = arith.cmpi sgt, %mul3A_19, %sign3A : i32
        %sign3A_21 = arith.extui %sign3A_20 : i1 to i32
        %sign3A_22 = arith.constant 0 : i32
        %sign3A_23 = arith.cmpi slt, %mul3A_19, %sign3A_22 : i32
        %sign3A_24 = arith.extui %sign3A_23 : i1 to i32
        %sign3A_25 = arith.subi %sign3A_21, %sign3A_24 : i32
        %sign3A_26 = arith.constant 0 : i32
        %sign3A_27 = arith.cmpi sgt, %jit3A, %sign3A_26 : i32
        %sign3A_28 = arith.extui %sign3A_27 : i1 to i32
        %sign3A_29 = arith.constant 0 : i32
        %sign3A_30 = arith.cmpi slt, %jit3A, %sign3A_29 : i32
        %sign3A_31 = arith.extui %sign3A_30 : i1 to i32
        %sign3A_32 = arith.subi %sign3A_28, %sign3A_31 : i32
        %ne3A = arith.cmpi ne, %sign3A_25, %sign3A_32 : i32
        %rem3A = arith.remsi %mul3A_19, %jit3A : i32
        %ne3A_33 = arith.constant 0 : i32
        %ne3A_34 = arith.cmpi ne, %rem3A, %ne3A_33 : i32
        %and3A = arith.andi %ne3A, %ne3A_34 : i1
        %sub3A = arith.constant 1 : i32
        %sub3A_35 = arith.subi %div3A, %sub3A : i32
        %select_n3A = arith.select %and3A, %sub3A_35, %div3A : i32
        %jit3A_36 = arith.constant 1000 : i32
        %eq3A = arith.constant 0 : i32
        %eq3A_37 = arith.cmpi eq, %jit3A_36, %eq3A : i32
        %jit3A_38 = arith.constant 1 : i32
        %select_n3A_39 = arith.select %eq3A_37, %jit3A_38, %jit3A_36 : i32
        %rem3A_40 = arith.remsi %mul3A_19, %select_n3A_39 : i32
        %ne3A_41 = arith.constant 0 : i32
        %ne3A_42 = arith.cmpi ne, %rem3A_40, %ne3A_41 : i32
        %lt3A_43 = arith.constant 0 : i32
        %lt3A_44 = arith.cmpi slt, %rem3A_40, %lt3A_43 : i32
        %lt3A_45 = arith.constant 0 : i32
        %lt3A_46 = arith.cmpi slt, %select_n3A_39, %lt3A_45 : i32
        %ne3A_47 = arith.xori %lt3A_44, %lt3A_46 : i1
        %and3A_48 = arith.andi %ne3A_47, %ne3A_42 : i1
        %add3A_49 = arith.addi %rem3A_40, %select_n3A_39 : i32
        %select_n3A_50 = arith.select %and3A_48, %add3A_49, %rem3A_40 : i32
        "tpu.region"() ({
          %run_scoped3A = tpu.sem_alloc : memref<!tpu.dma_semaphore, #tpu.memory_space<semaphore_mem>>
          %dma_start3A = arith.constant 0 : i32
          %dma_start3A_82 = tpu.memref_slice %arg2[%select_n3A, %dma_start3A] : memref<20x4096xi32, #tpu.memory_space<hbm>> -> memref<1x4096xi32, #tpu.memory_space<hbm>>
          %dma_start3A_83 = tpu.memref_squeeze %dma_start3A_82 : memref<1x4096xi32, #tpu.memory_space<hbm>> -> memref<4096xi32, #tpu.memory_space<hbm>>
          %dma_start3A_84 = arith.constant 0 : i32
          %dma_start3A_85 = tpu.memref_slice %arg2[%select_n3A, %dma_start3A_84] : memref<20x4096xi32, #tpu.memory_space<hbm>> -> memref<1x4096xi32, #tpu.memory_space<hbm>>
          %dma_start3A_86 = tpu.memref_squeeze %dma_start3A_85 : memref<1x4096xi32, #tpu.memory_space<hbm>> -> memref<4096xi32, #tpu.memory_space<hbm>>
          tpu.enqueue_dma source(%dma_start3A_86 : memref<4096xi32, #tpu.memory_space<hbm>>) target(%arg5 : memref<4096xi32, #tpu.memory_space<vmem>>) target_semaphore(%run_scoped3A : memref<!tpu.dma_semaphore, #tpu.memory_space<semaphore_mem>>)
          %dma_wait3A = arith.constant 0 : i32
          %dma_wait3A_87 = tpu.memref_slice %arg2[%select_n3A, %dma_wait3A] : memref<20x4096xi32, #tpu.memory_space<hbm>> -> memref<1x4096xi32, #tpu.memory_space<hbm>>
          %dma_wait3A_88 = tpu.memref_squeeze %dma_wait3A_87 : memref<1x4096xi32, #tpu.memory_space<hbm>> -> memref<4096xi32, #tpu.memory_space<hbm>>
          %dma_wait3A_89 = arith.constant 0 : i32
          %dma_wait3A_90 = tpu.memref_slice %arg2[%select_n3A, %dma_wait3A_89] : memref<20x4096xi32, #tpu.memory_space<hbm>> -> memref<1x4096xi32, #tpu.memory_space<hbm>>
          %dma_wait3A_91 = tpu.memref_squeeze %dma_wait3A_90 : memref<1x4096xi32, #tpu.memory_space<hbm>> -> memref<4096xi32, #tpu.memory_space<hbm>>
          tpu.wait_dma2 semaphore(%run_scoped3A : memref<!tpu.dma_semaphore, #tpu.memory_space<semaphore_mem>>) src(%dma_wait3A_91 : memref<4096xi32, #tpu.memory_space<hbm>>) dst(%arg5 : memref<4096xi32, #tpu.memory_space<vmem>>)
          tpu.yield
        }) : () -> ()
        %add3A_51 = arith.constant 0 : i32
        %add3A_52 = arith.addi %select_n3A_50, %add3A_51 : i32
        %broadcast_in_dim3A_53 = vector.broadcast %add3A_52 : i32 to vector<16xi32>
        %add3A_54 = arith.constant 1 : i32
        %add3A_55 = arith.addi %select_n3A_50, %add3A_54 : i32
        %broadcast_in_dim3A_56 = vector.broadcast %add3A_55 : i32 to vector<16xi32>
        %add3A_57 = arith.constant 2 : i32
        %add3A_58 = arith.addi %select_n3A_50, %add3A_57 : i32
        %broadcast_in_dim3A_59 = vector.broadcast %add3A_58 : i32 to vector<16xi32>
        %add3A_60 = arith.constant 3 : i32
        %add3A_61 = arith.addi %select_n3A_50, %add3A_60 : i32
        %broadcast_in_dim3A_62 = vector.broadcast %add3A_61 : i32 to vector<16xi32>
        %add3A_63 = arith.constant 4 : i32
        %add3A_64 = arith.addi %select_n3A_50, %add3A_63 : i32
        %broadcast_in_dim3A_65 = vector.broadcast %add3A_64 : i32 to vector<16xi32>
        %add3A_66 = arith.constant 5 : i32
        %add3A_67 = arith.addi %select_n3A_50, %add3A_66 : i32
        %broadcast_in_dim3A_68 = vector.broadcast %add3A_67 : i32 to vector<16xi32>
        %add3A_69 = arith.constant 6 : i32
        %add3A_70 = arith.addi %select_n3A_50, %add3A_69 : i32
        %broadcast_in_dim3A_71 = vector.broadcast %add3A_70 : i32 to vector<16xi32>
        %add3A_72 = arith.constant 7 : i32
        %add3A_73 = arith.addi %select_n3A_50, %add3A_72 : i32
        %broadcast_in_dim3A_74 = vector.broadcast %add3A_73 : i32 to vector<16xi32>
        %scan3A_75 = arith.constant 0 : i32
        %scan3A_76 = arith.constant 0 : i32
        %scan3A_77 = arith.constant 256 : i32
        %scan3A_78 = arith.addi %scan3A_76, %scan3A_77 : i32
        %scan3A_79 = arith.constant 1 : i32
        %scan3A_80 = scf.for %scan3A_82 = %scan3A_76 to %scan3A_78 step %scan3A_79 iter_args(%scan3A_83 = %scan3A_75) -> (i32)  : i32 {
          %mul3A_84 = arith.constant 16 : i32
          %mul3A_85 = arith.muli %scan3A_82, %mul3A_84 : i32
          %get3A = arith.index_cast %mul3A_85 : i32 to index
          %get3A_86 = tpu.vector_load %arg5[%get3A] {strides = array<i32>} : memref<4096xi32, #tpu.memory_space<vmem>>, vector<16xi32>,
          %get3A_87 = vector.shape_cast %get3A_86 : vector<16xi32> to vector<16xi32>
          %eq3A_88 = arith.cmpi eq, %get3A_87, %broadcast_in_dim3A_53 : vector<16xi32>
          %select_n3A_89 = arith.select %eq3A_88, %broadcast_in_dim3A_1, %broadcast_in_dim3A_3 : vector<16xi1>, vector<16xi32>
          %mul3A_90 = arith.constant 16 : i32
          %mul3A_91 = arith.muli %scan3A_82, %mul3A_90 : i32
          %swap3A = arith.constant 0 : i32
          %swap3A_92 = arith.index_cast %swap3A : i32 to index
          %swap3A_93 = arith.index_cast %mul3A_91 : i32 to index
          %swap3A_94 = tpu.vector_load %arg4[%swap3A_92, %swap3A_93] {strides = array<i32>} : memref<8x4096xi32, #tpu.memory_space<vmem>>, vector<1x16xi32>,
          %swap3A_95 = vector.shape_cast %swap3A_94 : vector<1x16xi32> to vector<16xi32>
          %swap3A_96 = vector.shape_cast %select_n3A_89 : vector<16xi32> to vector<1x16xi32>
          tpu.vector_store %arg4[%swap3A_92, %swap3A_93], %swap3A_96 {strides = array<i32>} : memref<8x4096xi32, #tpu.memory_space<vmem>>, vector<1x16xi32>,
          %eq3A_97 = arith.cmpi eq, %get3A_87, %broadcast_in_dim3A_56 : vector<16xi32>
          %select_n3A_98 = arith.select %eq3A_97, %broadcast_in_dim3A_1, %broadcast_in_dim3A_3 : vector<16xi1>, vector<16xi32>
          %mul3A_99 = arith.constant 16 : i32
          %mul3A_100 = arith.muli %scan3A_82, %mul3A_99 : i32
          %swap3A_101 = arith.constant 1 : i32
          %swap3A_102 = arith.index_cast %swap3A_101 : i32 to index
          %swap3A_103 = arith.index_cast %mul3A_100 : i32 to index
          %swap3A_104 = tpu.vector_load %arg4[%swap3A_102, %swap3A_103] {strides = array<i32>} : memref<8x4096xi32, #tpu.memory_space<vmem>>, vector<1x16xi32>,
          %swap3A_105 = vector.shape_cast %swap3A_104 : vector<1x16xi32> to vector<16xi32>
          %swap3A_106 = vector.shape_cast %select_n3A_98 : vector<16xi32> to vector<1x16xi32>
          tpu.vector_store %arg4[%swap3A_102, %swap3A_103], %swap3A_106 {strides = array<i32>} : memref<8x4096xi32, #tpu.memory_space<vmem>>, vector<1x16xi32>,
          %eq3A_107 = arith.cmpi eq, %get3A_87, %broadcast_in_dim3A_59 : vector<16xi32>
          %select_n3A_108 = arith.select %eq3A_107, %broadcast_in_dim3A_1, %broadcast_in_dim3A_3 : vector<16xi1>, vector<16xi32>
          %mul3A_109 = arith.constant 16 : i32
          %mul3A_110 = arith.muli %scan3A_82, %mul3A_109 : i32
          %swap3A_111 = arith.constant 2 : i32
          %swap3A_112 = arith.index_cast %swap3A_111 : i32 to index
          %swap3A_113 = arith.index_cast %mul3A_110 : i32 to index
          %swap3A_114 = tpu.vector_load %arg4[%swap3A_112, %swap3A_113] {strides = array<i32>} : memref<8x4096xi32, #tpu.memory_space<vmem>>, vector<1x16xi32>,
          %swap3A_115 = vector.shape_cast %swap3A_114 : vector<1x16xi32> to vector<16xi32>
          %swap3A_116 = vector.shape_cast %select_n3A_108 : vector<16xi32> to vector<1x16xi32>
          tpu.vector_store %arg4[%swap3A_112, %swap3A_113], %swap3A_116 {strides = array<i32>} : memref<8x4096xi32, #tpu.memory_space<vmem>>, vector<1x16xi32>,
          %eq3A_117 = arith.cmpi eq, %get3A_87, %broadcast_in_dim3A_62 : vector<16xi32>
          %select_n3A_118 = arith.select %eq3A_117, %broadcast_in_dim3A_1, %broadcast_in_dim3A_3 : vector<16xi1>, vector<16xi32>
          %mul3A_119 = arith.constant 16 : i32
          %mul3A_120 = arith.muli %scan3A_82, %mul3A_119 : i32
          %swap3A_121 = arith.constant 3 : i32
          %swap3A_122 = arith.index_cast %swap3A_121 : i32 to index
          %swap3A_123 = arith.index_cast %mul3A_120 : i32 to index
          %swap3A_124 = tpu.vector_load %arg4[%swap3A_122, %swap3A_123] {strides = array<i32>} : memref<8x4096xi32, #tpu.memory_space<vmem>>, vector<1x16xi32>,
          %swap3A_125 = vector.shape_cast %swap3A_124 : vector<1x16xi32> to vector<16xi32>
          %swap3A_126 = vector.shape_cast %select_n3A_118 : vector<16xi32> to vector<1x16xi32>
          tpu.vector_store %arg4[%swap3A_122, %swap3A_123], %swap3A_126 {strides = array<i32>} : memref<8x4096xi32, #tpu.memory_space<vmem>>, vector<1x16xi32>,
          %eq3A_127 = arith.cmpi eq, %get3A_87, %broadcast_in_dim3A_65 : vector<16xi32>
          %select_n3A_128 = arith.select %eq3A_127, %broadcast_in_dim3A_1, %broadcast_in_dim3A_3 : vector<16xi1>, vector<16xi32>
          %mul3A_129 = arith.constant 16 : i32
          %mul3A_130 = arith.muli %scan3A_82, %mul3A_129 : i32
          %swap3A_131 = arith.constant 4 : i32
          %swap3A_132 = arith.index_cast %swap3A_131 : i32 to index
          %swap3A_133 = arith.index_cast %mul3A_130 : i32 to index
          %swap3A_134 = tpu.vector_load %arg4[%swap3A_132, %swap3A_133] {strides = array<i32>} : memref<8x4096xi32, #tpu.memory_space<vmem>>, vector<1x16xi32>,
          %swap3A_135 = vector.shape_cast %swap3A_134 : vector<1x16xi32> to vector<16xi32>
          %swap3A_136 = vector.shape_cast %select_n3A_128 : vector<16xi32> to vector<1x16xi32>
          tpu.vector_store %arg4[%swap3A_132, %swap3A_133], %swap3A_136 {strides = array<i32>} : memref<8x4096xi32, #tpu.memory_space<vmem>>, vector<1x16xi32>,
          %eq3A_137 = arith.cmpi eq, %get3A_87, %broadcast_in_dim3A_68 : vector<16xi32>
          %select_n3A_138 = arith.select %eq3A_137, %broadcast_in_dim3A_1, %broadcast_in_dim3A_3 : vector<16xi1>, vector<16xi32>
          %mul3A_139 = arith.constant 16 : i32
          %mul3A_140 = arith.muli %scan3A_82, %mul3A_139 : i32
          %swap3A_141 = arith.constant 5 : i32
          %swap3A_142 = arith.index_cast %swap3A_141 : i32 to index
          %swap3A_143 = arith.index_cast %mul3A_140 : i32 to index
          %swap3A_144 = tpu.vector_load %arg4[%swap3A_142, %swap3A_143] {strides = array<i32>} : memref<8x4096xi32, #tpu.memory_space<vmem>>, vector<1x16xi32>,
          %swap3A_145 = vector.shape_cast %swap3A_144 : vector<1x16xi32> to vector<16xi32>
          %swap3A_146 = vector.shape_cast %select_n3A_138 : vector<16xi32> to vector<1x16xi32>
          tpu.vector_store %arg4[%swap3A_142, %swap3A_143], %swap3A_146 {strides = array<i32>} : memref<8x4096xi32, #tpu.memory_space<vmem>>, vector<1x16xi32>,
          %eq3A_147 = arith.cmpi eq, %get3A_87, %broadcast_in_dim3A_71 : vector<16xi32>
          %select_n3A_148 = arith.select %eq3A_147, %broadcast_in_dim3A_1, %broadcast_in_dim3A_3 : vector<16xi1>, vector<16xi32>
          %mul3A_149 = arith.constant 16 : i32
          %mul3A_150 = arith.muli %scan3A_82, %mul3A_149 : i32
          %swap3A_151 = arith.constant 6 : i32
          %swap3A_152 = arith.index_cast %swap3A_151 : i32 to index
          %swap3A_153 = arith.index_cast %mul3A_150 : i32 to index
          %swap3A_154 = tpu.vector_load %arg4[%swap3A_152, %swap3A_153] {strides = array<i32>} : memref<8x4096xi32, #tpu.memory_space<vmem>>, vector<1x16xi32>,
          %swap3A_155 = vector.shape_cast %swap3A_154 : vector<1x16xi32> to vector<16xi32>
          %swap3A_156 = vector.shape_cast %select_n3A_148 : vector<16xi32> to vector<1x16xi32>
          tpu.vector_store %arg4[%swap3A_152, %swap3A_153], %swap3A_156 {strides = array<i32>} : memref<8x4096xi32, #tpu.memory_space<vmem>>, vector<1x16xi32>,
          %eq3A_157 = arith.cmpi eq, %get3A_87, %broadcast_in_dim3A_74 : vector<16xi32>
          %select_n3A_158 = arith.select %eq3A_157, %broadcast_in_dim3A_1, %broadcast_in_dim3A_3 : vector<16xi1>, vector<16xi32>
          %mul3A_159 = arith.constant 16 : i32
          %mul3A_160 = arith.muli %scan3A_82, %mul3A_159 : i32
          %swap3A_161 = arith.constant 7 : i32
          %swap3A_162 = arith.index_cast %swap3A_161 : i32 to index
          %swap3A_163 = arith.index_cast %mul3A_160 : i32 to index
          %swap3A_164 = tpu.vector_load %arg4[%swap3A_162, %swap3A_163] {strides = array<i32>} : memref<8x4096xi32, #tpu.memory_space<vmem>>, vector<1x16xi32>,
          %swap3A_165 = vector.shape_cast %swap3A_164 : vector<1x16xi32> to vector<16xi32>
          %swap3A_166 = vector.shape_cast %select_n3A_158 : vector<16xi32> to vector<1x16xi32>
          tpu.vector_store %arg4[%swap3A_162, %swap3A_163], %swap3A_166 {strides = array<i32>} : memref<8x4096xi32, #tpu.memory_space<vmem>>, vector<1x16xi32>,
          %scan3A_167 = arith.constant 0 : i32
          scf.yield %scan3A_167 : i32
        }
        %scan3A_81 = arith.constant 256 : i32
        "tpu.region"() ({
          %run_scoped3A = tpu.sem_alloc : memref<!tpu.dma_semaphore, #tpu.memory_space<semaphore_mem>>
          %dma_start3A = arith.constant 0 : i32
          %dma_start3A_82 = tpu.memref_slice %arg3[%mul3A_19, %dma_start3A] : memref<20000x4096xi32, #tpu.memory_space<hbm>> -> memref<8x4096xi32, #tpu.memory_space<hbm>>
          %dma_start3A_83 = arith.constant 0 : i32
          %dma_start3A_84 = tpu.memref_slice %arg3[%mul3A_19, %dma_start3A_83] : memref<20000x4096xi32, #tpu.memory_space<hbm>> -> memref<8x4096xi32, #tpu.memory_space<hbm>>
          tpu.enqueue_dma source(%arg4 : memref<8x4096xi32, #tpu.memory_space<vmem>>) target(%dma_start3A_84 : memref<8x4096xi32, #tpu.memory_space<hbm>>) target_semaphore(%run_scoped3A : memref<!tpu.dma_semaphore, #tpu.memory_space<semaphore_mem>>)
          %dma_wait3A = arith.constant 0 : i32
          %dma_wait3A_85 = tpu.memref_slice %arg3[%mul3A_19, %dma_wait3A] : memref<20000x4096xi32, #tpu.memory_space<hbm>> -> memref<8x4096xi32, #tpu.memory_space<hbm>>
          %dma_wait3A_86 = arith.constant 0 : i32
          %dma_wait3A_87 = tpu.memref_slice %arg3[%mul3A_19, %dma_wait3A_86] : memref<20000x4096xi32, #tpu.memory_space<hbm>> -> memref<8x4096xi32, #tpu.memory_space<hbm>>
          tpu.wait_dma2 semaphore(%run_scoped3A : memref<!tpu.dma_semaphore, #tpu.memory_space<semaphore_mem>>) src(%arg4 : memref<8x4096xi32, #tpu.memory_space<vmem>>) dst(%dma_wait3A_87 : memref<8x4096xi32, #tpu.memory_space<hbm>>)
          tpu.yield
        }) : () -> ()
      } else {
      }
      %scan3A_17 = arith.constant 0 : i32
      scf.yield %scan3A_17 : i32
    }
    %scan3A_9 = arith.constant 79 : i32
    return
  }
}

</mosaic_0001>

<sc_bundles>
// kernel: kernel.3.cloned.1.call-start
scs
__scs_entry_jumppad:
0x0: {  	(pc) =	sbr.rel $0x88, $3  }
0x1: {  	(tag) =	ssettag $0x0;
	lr =	simm.s32 $0x1  }
0x2: {  	[smem:$0x3FA0] =	sst lr;
	_ =	strace $0xD0000000  }
0x3: {  	_ = 	snop  }
0x4: {  	_ = 	snop  }
0x5: {  	_ = 	snop  }
0x6: {  	_ = 	snop  }
0x7: {  	_ = 	snop  }
__scs_overlays_trampoline_lowered:
0x8: {  	[smem:$0x3FAF] =	sst s0  }
0x9: {  	[smem:$0x3FB0] =	sst s1  }
0xa: {  	[smem:$0x3FB1] =	sst s2  }
0xb: {  	[smem:$0x3FB2] =	sst s3  }
0xc: {  	[smem:$0x3FB3] =	sst s4  }
0xd: {  	[smem:$0x3FB4] =	sst s5  }
0xe: {  	[smem:$0x3FB5] =	sst s6  }
0xf: {  	[smem:$0x3FB6] =	sst s7  }
0x10: {  	[smem:$0x3FB7] =	sst s8  }
0x11: {  	[smem:$0x3FB8] =	sst s9;
	s0 =	simm.s32 @!p0 $0x0  }
0x12: {  	s1 =	sld [smem:$0x3F9E];
	s0 =	simm.s32 @p0 $0x1  }
0x13: {  	[smem:$0x3FB9] =	sst s0;
	s0 =	simm.s32 @!p1 $0x0  }
0x14: {  	s2 =	sld [smem:$0x3F9D];
	s0 =	simm.s32 @p1 $0x1  }
0x15: {  	[smem:$0x3FBA] =	sst s0;
	s0 =	simm.s32 @!p2 $0x0  }
0x16: {  	s3 =	sld [smem:$0x3FDB];
	s0 =	simm.s32 @p2 $0x1  }
0x17: {  	s4 =	simm.s32 $0x1BF5;
	[smem:$0x3FBC] =	sst s0  }
0x18: {  	s0 =	sld [smem:$0x3F9F];
	_ =	swait.ge [sflag:s4], $0x0  }
0x19: {  	s7 =	sld [smem:$0x3FA0]  }
0x1a: {  	s8 =	sadd.s32 $0xFFFFE003, lr  }
0x1b: {  	s9 =	sadd.s32 $0xFFFFFEF7, lr;
	s5 =	simm.s32 $0xFFFFFFFF;
	p2 =	slt.u32 s8, $0xFFFFF086  }
0x1c: {  	p1 =	slt.u32 s9, $0xF7A;
	s5 =	simm.s32 @!p2 $0x0  }
0x1d: {  	s5 =	simm.s32 @p1 $0x1;
	p0 =	seq.s32 s7, s2  }
0x1e: {  	s7 =	smul.u32 @!p0 $0xF7A, s2;
	p2 =	seq.s32 @!p0 s5, $0x0  }
0x1f: {  	s9 =	smul.u32 $0xF7A, s1;
	s8 =	simm.s32 @!p0 $0x1BF5;
	p2 =	por !p2, p0  }
0x20: {  	[sflag:s8] =	ssyncset.s32 @!p0 $0xFFFFF086;
	s6 =	sadd.s32 @!p0 s3, s7;
	s7 =	simm.s32 @!p0 $0x108  }
0x21: {  	s3 =	sadd.s32 s3, s9;
	s6 =	sadd.s32 @!p0 $0x88, s6;
	s7 =	simm.s32 @p2 $0x1082  }
0x22: {  	[simem:s7], [sflag:s8] =	dma.local @!p0 [hbm:s6], $0xF7A  }
0x23: {  	s9 =	sor.u32 $0xD0000000, s2;
	s6 =	simm.s32 $0x108;
	_ =	swait.ge @!p0 [sflag:s8], $0x0  }
0x24: {  	s3 =	sadd.s32 $0x88, s3;
	s6 =	simm.s32 @!p1 $0x1082;
	[sflag:s4] =	ssyncset.s32 $0xFFFFF086  }
0x25: {  	[simem:s6], [sflag:s4] =	dma.local [hbm:s3], $0xF7A  }
0x26: {  	[smem:$0x3FA0] =	sst s1;
	(tag) =	ssettag s2;
	_ =	strace s9  }
0x27: {  	s1 =	sld [smem:$0x3FB0]  }
0x28: {  	s2 =	sld [smem:$0x3FB1]  }
0x29: {  	s4 =	sld [smem:$0x3FB3]  }
0x2a: {  	p0 =	seq.s32 s5, $0x0;
	s5 =	sld [smem:$0x3FB4]  }
0x2b: {  	s6 =	sld [smem:$0x3FB5]  }
0x2c: {  	s7 =	sld [smem:$0x3FB6]  }
0x2d: {  	s3 =	simm.s32 $0x108;
	s8 =	sld [smem:$0x3FB7]  }
0x2e: {  	s3 =	simm.s32 @!p0 $0x1082;
	s9 =	sld [smem:$0x3FB8]  }
0x2f: {  	lr =	sadd.s32 s0, s3;
	s0 =	sld [smem:$0x3FAF]  }
0x30: {  	s3 =	sld [smem:$0x3FB2]  }
0x31: {  	[smem:$0x3FBB] =	sst s10  }
0x32: {  	s10 =	sld [smem:$0x3FB9];
	_ =	sdelay $0x3  }
0x33: {  	p0 =	seq.s32 s10, $0x1;
	s10 =	sld [smem:$0x3FBB];
	_ =	sdelay $0x3  }
0x34: {  	[smem:$0x3FBB] =	sst s10  }
0x35: {  	s10 =	sld [smem:$0x3FBA];
	_ =	sdelay $0x3  }
0x36: {  	p1 =	seq.s32 s10, $0x1;
	s10 =	sld [smem:$0x3FBB];
	_ =	sdelay $0x3  }
0x37: {  	[smem:$0x3FBB] =	sst s10  }
0x38: {  	s10 =	sld [smem:$0x3FBC]  }
0x39: {  	_ = 	snop;
	(pc) =	sbr.ind lr, $3  }
0x3a: {  	_ = 	snop  }
0x3b: {  	_ = 	snop  }
0x3c: {  	p2 =	seq.s32 s10, $0x1;
	s10 =	sld [smem:$0x3FBB]  }
0x3d: {  	_ =	shalt  }
0x3e: {  	_ =	shalt  }
0x3f: {  	_ =	shalt  }
0x40: {  	_ =	shalt  }
0x41: {  	_ =	shalt  }
0x42: {  	_ =	shalt  }
0x43: {  	_ =	shalt  }
0x44: {  	_ =	shalt  }
0x45: {  	_ =	shalt  }
0x46: {  	_ =	shalt  }
0x47: {  	_ =	shalt  }
0x48: {  	_ =	shalt  }
0x49: {  	_ =	shalt  }
0x4a: {  	_ =	shalt  }
0x4b: {  	_ =	shalt  }
0x4c: {  	_ =	shalt  }
0x4d: {  	_ =	shalt  }
0x4e: {  	_ =	shalt  }
0x4f: {  	_ =	shalt  }
0x50: {  	_ =	shalt  }
0x51: {  	_ =	shalt  }
0x52: {  	_ =	shalt  }
0x53: {  	_ =	shalt  }
0x54: {  	_ =	shalt  }
0x55: {  	_ =	shalt  }
0x56: {  	_ =	shalt  }
0x57: {  	_ =	shalt  }
0x58: {  	_ =	shalt  }
0x59: {  	_ =	shalt  }
0x5a: {  	_ =	shalt  }
0x5b: {  	_ =	shalt  }
0x5c: {  	_ =	shalt  }
0x5d: {  	_ =	shalt  }
0x5e: {  	_ =	shalt  }
0x5f: {  	_ =	shalt  }
0x60: {  	_ =	shalt  }
0x61: {  	_ =	shalt  }
0x62: {  	_ =	shalt  }
0x63: {  	_ =	shalt  }
0x64: {  	_ =	shalt  }
0x65: {  	_ =	shalt  }
0x66: {  	_ =	shalt  }
0x67: {  	_ =	shalt  }
0x68: {  	_ =	shalt  }
0x69: {  	_ =	shalt  }
0x6a: {  	_ =	shalt  }
0x6b: {  	_ =	shalt  }
0x6c: {  	_ =	shalt  }
0x6d: {  	_ =	shalt  }
0x6e: {  	_ =	shalt  }
0x6f: {  	_ =	shalt  }
0x70: {  	_ =	shalt  }
0x71: {  	_ =	shalt  }
0x72: {  	_ =	shalt  }
0x73: {  	_ =	shalt  }
0x74: {  	_ =	shalt  }
0x75: {  	_ =	shalt  }
0x76: {  	_ =	shalt  }
0x77: {  	_ =	shalt  }
0x78: {  	_ =	shalt  }
0x79: {  	_ =	shalt  }
0x7a: {  	_ =	shalt  }
0x7b: {  	_ =	shalt  }
0x7c: {  	_ =	shalt  }
0x7d: {  	_ =	shalt  }
0x7e: {  	_ =	shalt  }
0x7f: {  	_ =	shalt  }
0x80: {  	_ =	shalt  }
0x81: {  	_ =	shalt  }
0x82: {  	_ =	shalt  }
0x83: {  	_ =	shalt  }
0x84: {  	_ =	shalt  }
0x85: {  	_ =	shalt  }
0x86: {  	_ =	shalt  }
0x87: {  	_ =	shalt  }
.Lfunc_end0:
.L_simem_size_0:
called_computation_lowered:
.L_overlay_start_0:
0x88: {  	s2 =	sld [smem:$0x3FD9]  }
0x89: {  	s3 =	sld [smem:$0x3FFE];
	_ =	sdelay $0x1  }
0x8a: {  	s1 =	srdreg.scid  }
0x8b: {  	s0 =	sand.u32 $0x1, s1  }
0x8c: {  	s18 =	sshll.u32 s0, $0xA;
	s2 =	sadd.s32 s3, s2  }
0x8d: {  	s2 =	sadd.s32 s2, s18  }
0x8e: {  	[smem:$0x3FC7] =	sst s2  }
0x8f: {  	_ = 	snop  }
0x90: {  	s2 =	sld [smem:$0x3FC9]  }
0x91: {  	s19 =	sld [smem:$0x3FD0];
	(tm) =	ssettm $0x1  }
0x92: {  	s4 =	sld [smem:$0x3FFB];
	_ =	sdelay $0x3  }
0x93: {  	_ =	strace s4  }
0x94: {  	s4 =	sld [smem:$0x3FFC];
	_ =	sdelay $0x3  }
0x95: {  	_ =	strace s4  }
0x96: {  	s4 =	sld [smem:$0x3FFD];
	_ =	sdelay $0x3  }
0x97: {  	_ =	strace s4  }
0x98: {  	_ =	strace $0x8FFFFFFF  }
0x99: {  	s20 =	sld [smem:$0x3FDB];
	_ =	sdelay $0x1  }
0x9a: {  	s5 =	simm.s32 $_scs_section_size  }
0x9b: {  	s6 =	simm.s32 $_size__tile_overlayer_lowered;
	s7 =	simm.s32 $_tile_overlayer_lowered  }
0x9c: {  	s23 =	simm.s32 $0x1BFF;
	s22 =	sshll.u32 s7, $0x1;
	s4 =	sadd.s32 s5, s20  }
0x9d: {  	s8 =	simm.s32 $0x0;
	s21 =	sshll.u32 s6, $0x1;
	s6 =	sadd.s32 s22, s4  }
0x9e: {  	[timem:s8], [sflag:s23] =	dma.local [hbm:s6], s21  }
0x9f: {  	_ =	swait.ge [sflag:s23], s21  }
0xa0: {  	s5 =	ssub.s32 $0x0, s21;
	[sflag:s23] =	ssyncset.done $0x0  }
0xa1: {  	[sflag:s23] =	ssyncadd.s32 s5;
	_ =	sdelay $0x1  }
0xa2: {  	s24 =	simm.s32 $0x1B8B  }
0xa3: {  	_ =	swait.ge [sflag:s24], $0x1  }
0xa4: {  	[sflag:s24] =	ssyncset.done $0x0  }
0xa5: {  	s25 =	simm.s32 $0x1B8E;
	[sflag:s24] =	ssyncadd.s32 $0xFFFFFFFF  }
0xa6: {  	s26 =	simm.s32 $execute0_lowered;
	[smem:$0x3FD2] =	sst s25  }
0xa7: {  	s5 =	sshll.u32 s26, $0x1;
	_ =	strace $0x80000046;
	[dreg:$0x1] =	wrdreg $0xFFFFFFFF  }
0xa8: {  	s28 =	simm.s32 $_size_execute0_lowered;
	s4 =	sadd.s32 s4, s5;
	[dreg:$0x0] =	wrdreg $0x0  }
0xa9: {  	s5 =	sshll.u32 s28, $0x1;
	[dreg:$0x2] =	wrdreg s4  }
0xaa: {  	[dreg:$0x3] =	wrdreg s5  }
0xab: {  	[dreg:$0x4] =	wrdreg $0xC0  }
0xac: {  	_ =	task [dreg:s8], $0x5FFFF  }
0xad: {  	[dreg:$0x1] =	wrdreg $0xFFFFFFFF  }
0xae: {  	[dreg:$0x0] =	wrdreg $0x60  }
0xaf: {  	[dreg:$0x2] =	wrdreg s2  }
0xb0: {  	[dreg:$0x3] =	wrdreg s19  }
0xb1: {  	[dreg:$0x4] =	wrdreg $0x9  }
0xb2: {  	_ =	task.clear_ibuf [dreg:s8], $0x5FFFF;
	_ =	strace $0x90000046  }
0xb3: {  	s29 =	simm.s32 $0x9;
	_ =	strace $0x80000048  }
0xb4: {  	_ =	swait.ge [sflag:s29], $0x1  }
0xb5: {  	[sflag:s29] =	ssyncadd.s32 $0xFFFFFFFF  }
0xb6: {  	_ =	strace $0x90000048  }
0xb7: {  	_ =	sfence  }
0xb8: {  	s30 =	sld [smem:$0x0];
	_ =	sdelay $0x2  }
0xb9: {  	s31 =	sshll.u32 s1, $0xD;
	s1 =	sshrl.u32 s1, $0x2  }
0xba: {  	s3 =	sand.u32 $0x4000, s31;
	s1 =	sadd.s32 s1, s30  }
0xbb: {  	s0 =	sor.u32 s3, s0;
	s1 =	sshll.u32 s1, $0x11  }
0xbc: {  	s0 =	sor.u32 s1, s0  }
0xbd: {  	s0 =	sadd.s32 $0x8F2B, s0  }
0xbe: {  	[sflag:s0] =	ssyncadd.remote.s32 $0x1  }
0xbf: {  	_ =	sfence.sel $0xFFFF  }
0xc0: {  	[dreg:$0x0] =	wrdreg $0xFFFFFFFF;
	(pc) =	sbr.abs _section_cstart, $3  }
0xc1: {  	[dreg:$0x1] =	wrdreg $0xFFFFFFFF  }
0xc2: {  	_ =	task.clear_ibuf [dreg:s8], $0x2FFFF;
	_ =	strace $0x9FFFFFFF  }
0xc3: {  	(tm) =	ssettm $0x7FFFFFFF  }
tec
execute0_lowered:
.L_overlay_start_1:
0x0: {  	(tag) =	ssettag $0x1  }
0x1: {  	s1 =	rddreg [dreg:$0x0];
	s0 =	srdreg.scid  }
0x2: {  	s2 =	rddreg [dreg:$0x1];
	s5 =	simm.s32 $0x0;
	s4 =	stileid.u32  }
.Ltmp0:
0x3: {  	s8 =	simm.s32 $0x80;
	s3 =	sand.u32 $0x1, s0;
	(pc) =	sbr.rel .LBB2_1-.Ltmp0, $4  }
0x4: {  	s9 =	simm.s32 $0x400;
	s10 =	simm.s32 $0x2;
	s6 =	ssub.s32 $0x2, s3  }
0x5: {  	s11 =	simm.s32 $0x1;
	s0 =	rddreg [dreg:$0x2];
	s7 =	sshrl.u32 s6, $0x1  }
0x6: {  	s12 =	simm.s32 $0x0;
	[smem:$0x7FF] =	sst s5;
	s7 =	ssub.s32 s6, s7  }
0x7: {  	v0 =	vimm.s32 $0x0;
	_ =	strace $0x80000047;
	s6 =	sshll.u32 s4, $0x1;
	s7 =	smax.u32 s7, $0x1  }
.LBB2_7:
0x8: {  	s12 =	sadd.s32 $0x1, s12  }
0x9: {  	p0 =	sne.s32 s12, s7  }
.Ltmp1:
0xa: {  	_ = 	snop;
	(pc) =	sbr.rel @!p0 .LBB2_8-.Ltmp1, $1  }
0xb: {  	_ =	sdelay $0x3  }
.LBB2_1:
.Ltmp2:
0xc: {  	(pc) =	sbr.rel .LBB2_2-.Ltmp2, $2  }
0xd: {  	_ =	sdelay $0x2  }
0xe: {  	s13 =	simm.s32 $0x0  }
.LBB2_6:
0xf: {  	s13 =	sadd.s32 $0x1, s13  }
0x10: {  	p0 =	sne.s32 s13, $0x4F  }
.Ltmp3:
0x11: {  	_ = 	snop;
	(pc) =	sbr.rel @!p0 .LBB2_7-.Ltmp3, $1  }
0x12: {  	_ =	sdelay $0x3  }
.LBB2_2:
0x13: {  	s14 =	sshll.u32 s13, $0x5  }
0x14: {  	s14 =	sor.u32 s6, s14  }
0x15: {  	p0 =	sgt.u32 s14, $0x9C3  }
.Ltmp4:
0x16: {  	_ = 	snop;
	(pc) =	sbr.rel @p0 .LBB2_6-.Ltmp4, $1  }
0x17: {  	_ =	sdelay $0x3  }
0x18: {  	s14 =	sor.u32 s3, s14  }
0x19: {  	s15 =	smulhi.u32 $0x10624DD3, s14;
	_ =	sdelay $0x1  }
0x1a: {  	s16 =	sshll.u32 s15, $0x1  }
0x1b: {  	s15 =	sshll.u32 s15, $0x6;
	s16 =	sand.u32 $0x70, s16  }
0x1c: {  	s17 =	sshll.u32 s14, $0x3;
	s15 =	sand.u32 $0x7000, s15;
	s16 =	sadd.s32 s1, s16  }
0x1d: {  	s18 =	smulhi.u32 $0x10624DD3, s17;
	s16 =	sadd.s32 s15, s16;
	s15 =	simm.s32 $0x8000  }
0x1e: {  	[tilespmem:s15], [sflag:$0x2] =	stream.strided.gather [hbm4b:s16+s8], $0x1000, s9, s8, $0x38;
	[tilespmem:$0x9000] =	vst v63  }
0x1f: {  	s23 =	sshrl.u32 s18, $0x6;
	_ =	swait.ge [sflag:s10], $0x1000  }
0x20: {  	s16 =	smul.u32 $0x3E8, s23;
	[sflag:s10] =	ssyncset.done $0x0  }
0x21: {  	[sflag:s10] =	ssyncadd.s32 $0xFFFFF000  }
0x22: {  	s16 =	ssub.s32 s17, s16;
	v5 =	vld [tilespmem:s15+$0x0]  }
0x23: {  	s17 =	sor.u32 $0x1, s16  }
0x24: {  	v2 =	vmov s16;
	s24 =	sor.u32 $0x2, s16;
	s25 =	sor.u32 $0x3, s16;
	s19 =	sor.u32 $0x4, s16;
	v3 =	vmov s17  }
0x25: {  	s26 =	sor.u32 $0x5, s16;
	s28 =	sor.u32 $0x6, s16;
	s16 =	sor.u32 $0x7, s16;
	v1 =	vmov s24;
	v6 =	vmov s25;
	v7 =	vmov s19  }
0x26: {  	v8 =	vmov s26;
	v9 =	vmov s28;
	v4 =	vmov s16;
	s16 =	simm.s32 $0x0  }
0x27: {  	s29 =	sand.u32 $0x7, s16;
	s30 =	sand.u32 $0x70, s16;
	s31 =	sand.u32 $0x7C00, s16;
	vm0 =	veq.s32 v5, v2;
	vm1 =	veq.s32 v5, v3;
	vm2 =	veq.s32 v5, v9  }
0x28: {  	s17 =	sshll.u32 s29, $0x4;
	s18 =	sor.u32 s30, s31;
	v10 =	vsel vm0, $0x1, v0;
	v12 =	vsel vm1, $0x1, v0;
	vm0 =	veq.s32 v5, v6  }
0x29: {  	s20 =	simm.s32 $0x0;
	s19 =	simm.s32 $0x10;
	s17 =	sadd.s32 $0x0, s17;
	[tilespmem:s18+$0x0] =	vst v10;
	v11 =	vsel vm0, $0x1, v0;
	vm0 =	veq.s32 v5, v7;
	v10 =	vsel vm2, $0x1, v0  }
.LBB2_4:
0x2a: {  	s16 =	sadd.s32 $0x80, s16  }
0x2b: {  	[tilespmem:s18+$0x80] =	vst v12;
	vm1 =	veq.s32 v5, v1;
	v12 =	vsel vm0, $0x1, v0;
	vm0 =	veq.s32 v5, v8;
	s20 =	sadd.s32 $0x1, s20;
	s15 =	sadd.s32 $0x10, s15;
	s21 =	smov.u32 s19  }
0x2c: {  	p0 =	sne.s32 s19, $0xFF0;
	s19 =	sadd.s32 $0x10, s19;
	s22 =	sand.u32 $0x7, s20;
	v13 =	vsel vm1, $0x1, v0;
	[tilespmem:s18+$0x180] =	vst v11;
	v11 =	vsel vm0, $0x1, v0;
	vm0 =	veq.s32 v5, v4  }
0x2d: {  	s22 =	sshll.u32 s22, $0x4;
	[tilespmem:s18+$0x200] =	vst v12  }
0x2e: {  	s22 =	sadd.s32 s22, s16;
	[tilespmem:s18+$0x280] =	vst v11  }
0x2f: {  	s23 =	sor.u32 $0x380, s17;
	v5 =	vsel vm0, $0x1, v0;
	[tilespmem:s18+$0x300] =	vst v10;
	s17 =	smov.u32 s22  }
0x30: {  	[tilespmem:s18+$0x100] =	vst v13  }
0x31: {  	[tilespmem:s23+$0x0] =	vst v5  }
0x32: {  	v5 =	vld [tilespmem:s15+$0x0];
	_ =	sdelay $0x2  }
.Ltmp5:
0x33: {  	(pc) =	sbr.rel @p0 .LBB2_4-.Ltmp5, $4  }
0x34: {  	_ = 	snop  }
0x35: {  	s18 =	sand.u32 $0x70, s21;
	s21 =	sand.u32 $0x7C00, s16;
	vm0 =	veq.s32 v5, v2;
	vm1 =	veq.s32 v5, v3;
	vm2 =	veq.s32 v5, v9  }
0x36: {  	s18 =	sor.u32 s18, s21;
	v10 =	vsel vm0, $0x1, v0;
	v12 =	vsel vm1, $0x1, v0;
	vm0 =	veq.s32 v5, v6  }
0x37: {  	[tilespmem:s18+$0x0] =	vst v10;
	v11 =	vsel vm0, $0x1, v0;
	vm0 =	veq.s32 v5, v7;
	v10 =	vsel vm2, $0x1, v0  }
0x38: {  	[tilespmem:s18+$0x80] =	vst v12  }
0x39: {  	[tilespmem:s18+$0x180] =	vst v11  }
0x3a: {  	v2 =	vsel vm0, $0x1, v0;
	vm13 =	veq.s32 v5, v8;
	[tilespmem:s18+$0x300] =	vst v10  }
0x3b: {  	vm14 =	veq.s32 v5, v1;
	v3 =	vsel vm13, $0x1, v0;
	[tilespmem:s18+$0x200] =	vst v2  }
0x3c: {  	vm15 =	veq.s32 v5, v4;
	v1 =	vsel vm14, $0x1, v0;
	[tilespmem:s18+$0x280] =	vst v3  }
0x3d: {  	s15 =	sor.u32 $0x380, s17;
	s14 =	sshll.u32 s14, $0xC;
	v2 =	vsel vm15, $0x1, v0;
	[tilespmem:s18+$0x100] =	vst v1  }
.Ltmp6:
0x3e: {  	s14 =	sadd.s32 s2, s14;
	[tilespmem:s15+$0x0] =	vst v2;
	(pc) =	sbr.rel .LBB2_6-.Ltmp6, $4  }
0x3f: {  	[hbm4b:s14+s5] =	stream.linear.scatter [tilespmem:s5], [sflag:$0x1], $0x8000, $0x38;
	[tilespmem:$0x9000] =	vst v63  }
0x40: {  	_ =	swait.ge [sflag:s11], $0x8000  }
0x41: {  	[sflag:s11] =	ssyncset.done $0x0  }
0x42: {  	[sflag:s11] =	ssyncadd.s32 $0xFFFF8000  }
.LBB2_8:
0x43: {  	_ =	sfence.sel $0x180000  }
0x44: {  	[bflag:$0x0] =	sbarrier.arrive $0xFFFF  }
0x45: {  	p0 =	sne.s32 s4, $0x0;
	_ =	strace $0x90000047  }
0x46: {  	s0 =	sadd.s32 @!p0 $0x100000, s0;
	[bflag:$0x2] =	sbarrier.arrive $0xFFFF  }
0x47: {  	[sflag:s0] =	ssyncadd.tile.s32 @!p0 $0x1;
	_ =	shalt  }
.Lfunc_end2:
_tile_overlayer_lowered:
.L_overlay_start_2:
0x48: {  	(tag) =	ssettag $0x2  }
0x49: {  	s0 =	rddreg [dreg:$0x0];
	s2 =	stileid.u32  }
0x4a: {  	s1 =	rddreg [dreg:$0x1];
	p0 =	sne.s32 s2, $0x0  }
0x4b: {  	s3 =	rddreg [dreg:$0x2];
	[bflag:$0x3] =	sbarrier.arrive $0xFFFF;
	s2 =	simm.s32 @!p0 $0x1C01  }
0x4c: {  	[timem:s3], [sflag:s2] =	dma.local @!p0 [hbm:s0], s1  }
0x4d: {  	s0 =	simm.s32 @!p0 $0x1  }
0x4e: {  	_ =	swait.ge @!p0 [sflag:s0], s1  }
0x4f: {  	s1 =	ssub.s32 @!p0 $0x0, s1;
	[sflag:s0] =	ssyncset.done @!p0 $0x0  }
0x50: {  	[sflag:s0] =	ssyncadd.s32 @!p0 s1  }
0x51: {  	[bflag:$0x3] =	sbarrier.arrive $0xFFFF  }
0x52: {  	_ =	shalt  }

</sc_bundles>
